<compile_context>
chip_gen: v7x
topology: tpu7x:2x2x1
jax: 0.10.2.dev20260603
libtpu: 0.0.44.dev20260713+nightly
codegen_flags: <defaults>
</compile_context>

<pallas_src>
import functools

import jax
import jax.numpy as jnp
from jax import lax
from jax.experimental import pallas as pl
from jax.experimental.pallas import tpu as pltpu
from jax.experimental.pallas import tpu_sc as plsc

N = 2_000_000
NUM_WORKERS = 32
LANES = 16
UNROLL = 16
STEP = LANES * UNROLL
NSUB = 4
SUB = 15_616
CHUNK = NSUB * SUB
TAIL = N - NUM_WORKERS * CHUNK
TABLE_LEN = 119

_mesh = plsc.VectorSubcoreMesh(core_axis_name="c", subcore_axis_name="s")


@functools.partial(
    pl.kernel,
    out_type=jax.ShapeDtypeStruct((N,), jnp.int32),
    mesh=_mesh,
    compiler_params=pltpu.CompilerParams(needs_layout_passes=False),
    scratch_types=[
        pltpu.VMEM((TABLE_LEN,), jnp.int32),
        pltpu.VMEM((SUB,), jnp.int32),
        pltpu.VMEM((SUB,), jnp.int32),
        pltpu.VMEM((SUB,), jnp.int32),
        pltpu.VMEM((SUB,), jnp.int32),
        pltpu.VMEM((TAIL,), jnp.int32),
        pltpu.SemaphoreType.DMA,
        pltpu.SemaphoreType.DMA,
        pltpu.SemaphoreType.DMA,
        pltpu.SemaphoreType.DMA,
    ],
)
def _translate(z_hbm, table_hbm, out_hbm,
               table_v, in_v0, in_v1, out_v0, out_v1, tail_v,
               sem_in0, sem_in1, sem_out0, sem_out1):
    wid = lax.axis_index("s") * 2 + lax.axis_index("c")
    base = wid * CHUNK

    bufs = ((in_v0, out_v0, sem_in0, sem_out0),
            (in_v1, out_v1, sem_in1, sem_out1))

    pltpu.async_copy(z_hbm.at[pl.ds(base, SUB)], in_v0, sem_in0)
    pltpu.async_copy(z_hbm.at[pl.ds(base + SUB, SUB)], in_v1, sem_in1)
    pltpu.sync_copy(table_hbm, table_v)

    def pair(g, carry):
        for half in range(2):
            iv, ov, s_in, s_out = bufs[half]
            off = base + (2 * g + half) * SUB
            pltpu.make_async_copy(z_hbm.at[pl.ds(off, SUB)], iv, s_in).wait()

            @pl.when(g >= 1)
            def _(ov=ov, s_out=s_out, off=off):
                pltpu.make_async_copy(
                    ov, out_hbm.at[pl.ds(off - 2 * SUB, SUB)], s_out
                ).wait()

            @plsc.parallel_loop(0, SUB, step=LANES, unroll=UNROLL)
            def body(i, _iv=iv, _ov=ov):
                sl = pl.ds(i, LANES)
                _ov[sl] = plsc.load_gather(table_v, [_iv[sl]])

            pltpu.async_copy(ov, out_hbm.at[pl.ds(off, SUB)], s_out)

            @pl.when(g < NSUB // 2 - 1)
            def _(iv=iv, s_in=s_in, off=off):
                pltpu.async_copy(
                    z_hbm.at[pl.ds(off + 2 * SUB, SUB)], iv, s_in
                )
        return carry

    lax.fori_loop(0, NSUB // 2, pair, 0)

    last0 = base + (NSUB - 2) * SUB
    pltpu.make_async_copy(
        out_v0, out_hbm.at[pl.ds(last0, SUB)], sem_out0).wait()
    pltpu.make_async_copy(
        out_v1, out_hbm.at[pl.ds(last0 + SUB, SUB)], sem_out1).wait()

    @pl.when(wid == 0)
    def _():
        tail_base = NUM_WORKERS * CHUNK
        pltpu.sync_copy(z_hbm.at[pl.ds(tail_base, TAIL)], tail_v)

        @plsc.parallel_loop(0, TAIL, step=LANES, unroll=8)
        def tbody(i):
            sl = pl.ds(i, LANES)
            tail_v[sl] = plsc.load_gather(table_v, [tail_v[sl]])
        pltpu.sync_copy(tail_v, out_hbm.at[pl.ds(tail_base, TAIL)])


def kernel(z, r, table):
    new_z = _translate(z, table)
    return (new_z, r)

# --- scband reference (transcript-rebuilt; emitter-appended) ---
"""Pipeline reference for scband-translate-atomic-symbols-25786983645303 (READ-ONLY COPY).

The authoritative reference and input builder live on the scoring server;
editing this copy changes nothing except your own understanding.
"""

import jax, jax.numpy as jnp
import numpy as np

TABLE = list(range(119))

def setup_inputs(seed: int = 0) -> dict:
    key = jax.random.key(seed)
    k1, k2 = jax.random.split(key)
    N = 2000000
    z = jax.random.randint(k1, (N,), 0, 119, dtype=jnp.int32)
    r = jax.random.normal(k2, (N, 3), dtype=jnp.float32)
    table = jnp.array(TABLE, dtype=jnp.int32)
    return {"z": z, "r": r, "table": table}

def reference(z, r, table):
    # map_an2labels: lookup of atomic numbers through the translation table
    new_z = jnp.take(table, z, axis=0)
    return (new_z, r)

if __name__ == "__main__":
    import jax
    _d = setup_inputs()
    print(jax.jit(kernel)(*tuple(_d.values())))

</pallas_src>

<mosaic_0001>
#map = affine_map<(d0, d1) -> (0)>
module attributes {stable_mosaic.version = 14 : i64} {
  func.func @_translate(%arg0: i32, %arg1: i32, %arg2: memref<2000000xi32, #tpu.memory_space<hbm>>, %arg3: memref<119xi32, #tpu.memory_space<hbm>>, %arg4: memref<2000000xi32, #tpu.memory_space<hbm>>, %arg5: memref<119xi32, #tpu.memory_space<vmem>>, %arg6: memref<15616xi32, #tpu.memory_space<vmem>>, %arg7: memref<15616xi32, #tpu.memory_space<vmem>>, %arg8: memref<15616xi32, #tpu.memory_space<vmem>>, %arg9: memref<15616xi32, #tpu.memory_space<vmem>>, %arg10: memref<1152xi32, #tpu.memory_space<vmem>>, %arg11: memref<!tpu.dma_semaphore, #tpu.memory_space<semaphore_mem>>, %arg12: memref<!tpu.dma_semaphore, #tpu.memory_space<semaphore_mem>>, %arg13: memref<!tpu.dma_semaphore, #tpu.memory_space<semaphore_mem>>, %arg14: memref<!tpu.dma_semaphore, #tpu.memory_space<semaphore_mem>>) attributes {dimension_semantics = [#tpu.dimension_semantics<core_parallel>, #tpu.dimension_semantics<subcore_parallel>], iteration_bounds = array<i64: 2, 16>, scalar_prefetch = 0 : i64, scratch_operands = 10 : i64, tpu.core_type = #tpu.core_type<sc_vector_subcore>, window_params = [{transform_indices = #map}, {transform_indices = #map}, {transform_indices = #map}]} {
    %mul3A = arith.constant 2 : i32
    %mul3A_0 = arith.muli %arg1, %mul3A : i32
    %add3A = arith.addi %mul3A_0, %arg0 : i32
    %mul3A_1 = arith.constant 62464 : i32
    %mul3A_2 = arith.muli %add3A, %mul3A_1 : i32
    %dma_start3A = tpu.memref_slice %arg2[%mul3A_2] : memref<2000000xi32, #tpu.memory_space<hbm>> -> memref<15616xi32, #tpu.memory_space<hbm>>
    %dma_start3A_3 = tpu.memref_slice %arg2[%mul3A_2] : memref<2000000xi32, #tpu.memory_space<hbm>> -> memref<15616xi32, #tpu.memory_space<hbm>>
    tpu.enqueue_dma source(%dma_start3A_3 : memref<15616xi32, #tpu.memory_space<hbm>>) target(%arg6 : memref<15616xi32, #tpu.memory_space<vmem>>) target_semaphore(%arg11 : memref<!tpu.dma_semaphore, #tpu.memory_space<semaphore_mem>>)
    %add3A_4 = arith.constant 15616 : i32
    %add3A_5 = arith.addi %mul3A_2, %add3A_4 : i32
    %dma_start3A_6 = tpu.memref_slice %arg2[%add3A_5] : memref<2000000xi32, #tpu.memory_space<hbm>> -> memref<15616xi32, #tpu.memory_space<hbm>>
    %dma_start3A_7 = tpu.memref_slice %arg2[%add3A_5] : memref<2000000xi32, #tpu.memory_space<hbm>> -> memref<15616xi32, #tpu.memory_space<hbm>>
    tpu.enqueue_dma source(%dma_start3A_7 : memref<15616xi32, #tpu.memory_space<hbm>>) target(%arg7 : memref<15616xi32, #tpu.memory_space<vmem>>) target_semaphore(%arg12 : memref<!tpu.dma_semaphore, #tpu.memory_space<semaphore_mem>>)
    "tpu.region"() ({
      %run_scoped3A = tpu.sem_alloc : memref<!tpu.dma_semaphore, #tpu.memory_space<semaphore_mem>>
      tpu.enqueue_dma source(%arg3 : memref<119xi32, #tpu.memory_space<hbm>>) target(%arg5 : memref<119xi32, #tpu.memory_space<vmem>>) target_semaphore(%run_scoped3A : memref<!tpu.dma_semaphore, #tpu.memory_space<semaphore_mem>>)
      tpu.wait_dma2 semaphore(%run_scoped3A : memref<!tpu.dma_semaphore, #tpu.memory_space<semaphore_mem>>) src(%arg3 : memref<119xi32, #tpu.memory_space<hbm>>) dst(%arg5 : memref<119xi32, #tpu.memory_space<vmem>>)
      tpu.yield
    }) : () -> ()
    %scan3A = arith.constant 0 : i32
    %scan3A_8 = arith.constant 0 : i32
    %scan3A_9 = arith.constant 2 : i32
    %scan3A_10 = arith.addi %scan3A_8, %scan3A_9 : i32
    %scan3A_11 = arith.constant 1 : i32
    scf.for %scan3A_22 = %scan3A_8 to %scan3A_10 step %scan3A_11  : i32 {
      %mul3A_23 = arith.constant 2 : i32
      %mul3A_24 = arith.muli %mul3A_23, %scan3A_22 : i32
      %add3A_25 = arith.constant 0 : i32
      %add3A_26 = arith.addi %mul3A_24, %add3A_25 : i32
      %mul3A_27 = arith.constant 15616 : i32
      %mul3A_28 = arith.muli %add3A_26, %mul3A_27 : i32
      %add3A_29 = arith.addi %mul3A_2, %mul3A_28 : i32
      %dma_wait3A_30 = tpu.memref_slice %arg2[%add3A_29] : memref<2000000xi32, #tpu.memory_space<hbm>> -> memref<15616xi32, #tpu.memory_space<hbm>>
      %dma_wait3A_31 = tpu.memref_slice %arg2[%add3A_29] : memref<2000000xi32, #tpu.memory_space<hbm>> -> memref<15616xi32, #tpu.memory_space<hbm>>
      tpu.wait_dma2 semaphore(%arg11 : memref<!tpu.dma_semaphore, #tpu.memory_space<semaphore_mem>>) src(%dma_wait3A_31 : memref<15616xi32, #tpu.memory_space<hbm>>) dst(%arg6 : memref<15616xi32, #tpu.memory_space<vmem>>)
      %ge3A = arith.constant 1 : i32
      %ge3A_32 = arith.cmpi sge, %scan3A_22, %ge3A : i32
      %convert_element_type3A_33 = arith.extui %ge3A_32 : i1 to i32
      %cond3A_34 = arith.constant 0 : i32
      %cond3A_35 = arith.cmpi ne, %convert_element_type3A_33, %cond3A_34 : i32
      scf.if %cond3A_35 {
        %sub3A = arith.constant 31232 : i32
        %sub3A_68 = arith.subi %add3A_29, %sub3A : i32
        %dma_wait3A_69 = tpu.memref_slice %arg4[%sub3A_68] : memref<2000000xi32, #tpu.memory_space<hbm>> -> memref<15616xi32, #tpu.memory_space<hbm>>
        %dma_wait3A_70 = tpu.memref_slice %arg4[%sub3A_68] : memref<2000000xi32, #tpu.memory_space<hbm>> -> memref<15616xi32, #tpu.memory_space<hbm>>
        tpu.wait_dma2 semaphore(%arg13 : memref<!tpu.dma_semaphore, #tpu.memory_space<semaphore_mem>>) src(%arg8 : memref<15616xi32, #tpu.memory_space<vmem>>) dst(%dma_wait3A_70 : memref<15616xi32, #tpu.memory_space<hbm>>)
      } else {
      }
      %parallel_loop3A = arith.constant 0 : i32
      %parallel_loop3A_36 = arith.constant 15616 : i32
      %parallel_loop3A_37 = arith.constant 16 : i32
      scf.for %parallel_loop3A_68 = %parallel_loop3A to %parallel_loop3A_36 step %parallel_loop3A_37  : i32 {
        %parallel_loop3A_69 = arith.index_cast %parallel_loop3A_68 : i32 to index
        %parallel_loop3A_70 = tpu.vector_load %arg6[%parallel_loop3A_69] {strides = array<i32>} : memref<15616xi32, #tpu.memory_space<vmem>>, vector<16xi32>,
        %parallel_loop3A_71 = tpu.vector_load_idx %arg5[%parallel_loop3A_70] : memref<119xi32, #tpu.memory_space<vmem>>[vector<16xi32>], vector<16xi32>,
        %parallel_loop3A_72 = arith.index_cast %parallel_loop3A_68 : i32 to index
        %parallel_loop3A_73 = tpu.vector_load %arg8[%parallel_loop3A_72] {strides = array<i32>} : memref<15616xi32, #tpu.memory_space<vmem>>, vector<16xi32>,
        tpu.vector_store %arg8[%parallel_loop3A_72], %parallel_loop3A_71 {strides = array<i32>} : memref<15616xi32, #tpu.memory_space<vmem>>, vector<16xi32>,
      } {sc.loop_unroll_factor = 16 : i64, sc.parallel_access}
      %dma_start3A_38 = tpu.memref_slice %arg4[%add3A_29] : memref<2000000xi32, #tpu.memory_space<hbm>> -> memref<15616xi32, #tpu.memory_space<hbm>>
      %dma_start3A_39 = tpu.memref_slice %arg4[%add3A_29] : memref<2000000xi32, #tpu.memory_space<hbm>> -> memref<15616xi32, #tpu.memory_space<hbm>>
      tpu.enqueue_dma source(%arg8 : memref<15616xi32, #tpu.memory_space<vmem>>) target(%dma_start3A_39 : memref<15616xi32, #tpu.memory_space<hbm>>) target_semaphore(%arg13 : memref<!tpu.dma_semaphore, #tpu.memory_space<semaphore_mem>>)
      %lt3A = arith.constant 1 : i32
      %lt3A_40 = arith.cmpi slt, %scan3A_22, %lt3A : i32
      %convert_element_type3A_41 = arith.extui %lt3A_40 : i1 to i32
      %cond3A_42 = arith.constant 0 : i32
      %cond3A_43 = arith.cmpi ne, %convert_element_type3A_41, %cond3A_42 : i32
      scf.if %cond3A_43 {
        %add3A_68 = arith.constant 31232 : i32
        %add3A_69 = arith.addi %add3A_29, %add3A_68 : i32
        %dma_start3A_70 = tpu.memref_slice %arg2[%add3A_69] : memref<2000000xi32, #tpu.memory_space<hbm>> -> memref<15616xi32, #tpu.memory_space<hbm>>
        %dma_start3A_71 = tpu.memref_slice %arg2[%add3A_69] : memref<2000000xi32, #tpu.memory_space<hbm>> -> memref<15616xi32, #tpu.memory_space<hbm>>
        tpu.enqueue_dma source(%dma_start3A_71 : memref<15616xi32, #tpu.memory_space<hbm>>) target(%arg6 : memref<15616xi32, #tpu.memory_space<vmem>>) target_semaphore(%arg11 : memref<!tpu.dma_semaphore, #tpu.memory_space<semaphore_mem>>)
      } else {
      }
      %mul3A_44 = arith.constant 2 : i32
      %mul3A_45 = arith.muli %mul3A_44, %scan3A_22 : i32
      %add3A_46 = arith.constant 1 : i32
      %add3A_47 = arith.addi %mul3A_45, %add3A_46 : i32
      %mul3A_48 = arith.constant 15616 : i32
      %mul3A_49 = arith.muli %add3A_47, %mul3A_48 : i32
      %add3A_50 = arith.addi %mul3A_2, %mul3A_49 : i32
      %dma_wait3A_51 = tpu.memref_slice %arg2[%add3A_50] : memref<2000000xi32, #tpu.memory_space<hbm>> -> memref<15616xi32, #tpu.memory_space<hbm>>
      %dma_wait3A_52 = tpu.memref_slice %arg2[%add3A_50] : memref<2000000xi32, #tpu.memory_space<hbm>> -> memref<15616xi32, #tpu.memory_space<hbm>>
      tpu.wait_dma2 semaphore(%arg12 : memref<!tpu.dma_semaphore, #tpu.memory_space<semaphore_mem>>) src(%dma_wait3A_52 : memref<15616xi32, #tpu.memory_space<hbm>>) dst(%arg7 : memref<15616xi32, #tpu.memory_space<vmem>>)
      %ge3A_53 = arith.constant 1 : i32
      %ge3A_54 = arith.cmpi sge, %scan3A_22, %ge3A_53 : i32
      %convert_element_type3A_55 = arith.extui %ge3A_54 : i1 to i32
      %cond3A_56 = arith.constant 0 : i32
      %cond3A_57 = arith.cmpi ne, %convert_element_type3A_55, %cond3A_56 : i32
      scf.if %cond3A_57 {
        %sub3A = arith.constant 31232 : i32
        %sub3A_68 = arith.subi %add3A_50, %sub3A : i32
        %dma_wait3A_69 = tpu.memref_slice %arg4[%sub3A_68] : memref<2000000xi32, #tpu.memory_space<hbm>> -> memref<15616xi32, #tpu.memory_space<hbm>>
        %dma_wait3A_70 = tpu.memref_slice %arg4[%sub3A_68] : memref<2000000xi32, #tpu.memory_space<hbm>> -> memref<15616xi32, #tpu.memory_space<hbm>>
        tpu.wait_dma2 semaphore(%arg14 : memref<!tpu.dma_semaphore, #tpu.memory_space<semaphore_mem>>) src(%arg9 : memref<15616xi32, #tpu.memory_space<vmem>>) dst(%dma_wait3A_70 : memref<15616xi32, #tpu.memory_space<hbm>>)
      } else {
      }
      %parallel_loop3A_58 = arith.constant 0 : i32
      %parallel_loop3A_59 = arith.constant 15616 : i32
      %parallel_loop3A_60 = arith.constant 16 : i32
      scf.for %parallel_loop3A_68 = %parallel_loop3A_58 to %parallel_loop3A_59 step %parallel_loop3A_60  : i32 {
        %parallel_loop3A_69 = arith.index_cast %parallel_loop3A_68 : i32 to index
        %parallel_loop3A_70 = tpu.vector_load %arg7[%parallel_loop3A_69] {strides = array<i32>} : memref<15616xi32, #tpu.memory_space<vmem>>, vector<16xi32>,
        %parallel_loop3A_71 = tpu.vector_load_idx %arg5[%parallel_loop3A_70] : memref<119xi32, #tpu.memory_space<vmem>>[vector<16xi32>], vector<16xi32>,
        %parallel_loop3A_72 = arith.index_cast %parallel_loop3A_68 : i32 to index
        %parallel_loop3A_73 = tpu.vector_load %arg9[%parallel_loop3A_72] {strides = array<i32>} : memref<15616xi32, #tpu.memory_space<vmem>>, vector<16xi32>,
        tpu.vector_store %arg9[%parallel_loop3A_72], %parallel_loop3A_71 {strides = array<i32>} : memref<15616xi32, #tpu.memory_space<vmem>>, vector<16xi32>,
      } {sc.loop_unroll_factor = 16 : i64, sc.parallel_access}
      %dma_start3A_61 = tpu.memref_slice %arg4[%add3A_50] : memref<2000000xi32, #tpu.memory_space<hbm>> -> memref<15616xi32, #tpu.memory_space<hbm>>
      %dma_start3A_62 = tpu.memref_slice %arg4[%add3A_50] : memref<2000000xi32, #tpu.memory_space<hbm>> -> memref<15616xi32, #tpu.memory_space<hbm>>
      tpu.enqueue_dma source(%arg9 : memref<15616xi32, #tpu.memory_space<vmem>>) target(%dma_start3A_62 : memref<15616xi32, #tpu.memory_space<hbm>>) target_semaphore(%arg14 : memref<!tpu.dma_semaphore, #tpu.memory_space<semaphore_mem>>)
      %lt3A_63 = arith.constant 1 : i32
      %lt3A_64 = arith.cmpi slt, %scan3A_22, %lt3A_63 : i32
      %convert_element_type3A_65 = arith.extui %lt3A_64 : i1 to i32
      %cond3A_66 = arith.constant 0 : i32
      %cond3A_67 = arith.cmpi ne, %convert_element_type3A_65, %cond3A_66 : i32
      scf.if %cond3A_67 {
        %add3A_68 = arith.constant 31232 : i32
        %add3A_69 = arith.addi %add3A_50, %add3A_68 : i32
        %dma_start3A_70 = tpu.memref_slice %arg2[%add3A_69] : memref<2000000xi32, #tpu.memory_space<hbm>> -> memref<15616xi32, #tpu.memory_space<hbm>>
        %dma_start3A_71 = tpu.memref_slice %arg2[%add3A_69] : memref<2000000xi32, #tpu.memory_space<hbm>> -> memref<15616xi32, #tpu.memory_space<hbm>>
        tpu.enqueue_dma source(%dma_start3A_71 : memref<15616xi32, #tpu.memory_space<hbm>>) target(%arg7 : memref<15616xi32, #tpu.memory_space<vmem>>) target_semaphore(%arg12 : memref<!tpu.dma_semaphore, #tpu.memory_space<semaphore_mem>>)
      } else {
      }
    }
    %scan3A_12 = arith.constant 2 : i32
    %add3A_13 = arith.constant 31232 : i32
    %add3A_14 = arith.addi %mul3A_2, %add3A_13 : i32
    %dma_wait3A = tpu.memref_slice %arg4[%add3A_14] : memref<2000000xi32, #tpu.memory_space<hbm>> -> memref<15616xi32, #tpu.memory_space<hbm>>
    %dma_wait3A_15 = tpu.memref_slice %arg4[%add3A_14] : memref<2000000xi32, #tpu.memory_space<hbm>> -> memref<15616xi32, #tpu.memory_space<hbm>>
    tpu.wait_dma2 semaphore(%arg13 : memref<!tpu.dma_semaphore, #tpu.memory_space<semaphore_mem>>) src(%arg8 : memref<15616xi32, #tpu.memory_space<vmem>>) dst(%dma_wait3A_15 : memref<15616xi32, #tpu.memory_space<hbm>>)
    %add3A_16 = arith.constant 15616 : i32
    %add3A_17 = arith.addi %add3A_14, %add3A_16 : i32
    %dma_wait3A_18 = tpu.memref_slice %arg4[%add3A_17] : memref<2000000xi32, #tpu.memory_space<hbm>> -> memref<15616xi32, #tpu.memory_space<hbm>>
    %dma_wait3A_19 = tpu.memref_slice %arg4[%add3A_17] : memref<2000000xi32, #tpu.memory_space<hbm>> -> memref<15616xi32, #tpu.memory_space<hbm>>
    tpu.wait_dma2 semaphore(%arg14 : memref<!tpu.dma_semaphore, #tpu.memory_space<semaphore_mem>>) src(%arg9 : memref<15616xi32, #tpu.memory_space<vmem>>) dst(%dma_wait3A_19 : memref<15616xi32, #tpu.memory_space<hbm>>)
    %eq3A = arith.constant 0 : i32
    %eq3A_20 = arith.cmpi eq, %add3A, %eq3A : i32
    %convert_element_type3A = arith.extui %eq3A_20 : i1 to i32
    %cond3A = arith.constant 0 : i32
    %cond3A_21 = arith.cmpi ne, %convert_element_type3A, %cond3A : i32
    scf.if %cond3A_21 {
      "tpu.region"() ({
        %run_scoped3A = tpu.sem_alloc : memref<!tpu.dma_semaphore, #tpu.memory_space<semaphore_mem>>
        %dma_start3A_24 = arith.constant 1998848 : i32
        %dma_start3A_25 = tpu.memref_slice %arg2[%dma_start3A_24] : memref<2000000xi32, #tpu.memory_space<hbm>> -> memref<1152xi32, #tpu.memory_space<hbm>>
        %dma_start3A_26 = arith.constant 1998848 : i32
        %dma_start3A_27 = tpu.memref_slice %arg2[%dma_start3A_26] : memref<2000000xi32, #tpu.memory_space<hbm>> -> memref<1152xi32, #tpu.memory_space<hbm>>
        tpu.enqueue_dma source(%dma_start3A_27 : memref<1152xi32, #tpu.memory_space<hbm>>) target(%arg10 : memref<1152xi32, #tpu.memory_space<vmem>>) target_semaphore(%run_scoped3A : memref<!tpu.dma_semaphore, #tpu.memory_space<semaphore_mem>>)
        %dma_wait3A_28 = arith.constant 1998848 : i32
        %dma_wait3A_29 = tpu.memref_slice %arg2[%dma_wait3A_28] : memref<2000000xi32, #tpu.memory_space<hbm>> -> memref<1152xi32, #tpu.memory_space<hbm>>
        %dma_wait3A_30 = arith.constant 1998848 : i32
        %dma_wait3A_31 = tpu.memref_slice %arg2[%dma_wait3A_30] : memref<2000000xi32, #tpu.memory_space<hbm>> -> memref<1152xi32, #tpu.memory_space<hbm>>
        tpu.wait_dma2 semaphore(%run_scoped3A : memref<!tpu.dma_semaphore, #tpu.memory_space<semaphore_mem>>) src(%dma_wait3A_31 : memref<1152xi32, #tpu.memory_space<hbm>>) dst(%arg10 : memref<1152xi32, #tpu.memory_space<vmem>>)
        tpu.yield
      }) : () -> ()
      %parallel_loop3A = arith.constant 0 : i32
      %parallel_loop3A_22 = arith.constant 1152 : i32
      %parallel_loop3A_23 = arith.constant 16 : i32
      scf.for %parallel_loop3A_24 = %parallel_loop3A to %parallel_loop3A_22 step %parallel_loop3A_23  : i32 {
        %parallel_loop3A_25 = arith.index_cast %parallel_loop3A_24 : i32 to index
        %parallel_loop3A_26 = tpu.vector_load %arg10[%parallel_loop3A_25] {strides = array<i32>} : memref<1152xi32, #tpu.memory_space<vmem>>, vector<16xi32>,
        %parallel_loop3A_27 = tpu.vector_load_idx %arg5[%parallel_loop3A_26] : memref<119xi32, #tpu.memory_space<vmem>>[vector<16xi32>], vector<16xi32>,
        %parallel_loop3A_28 = arith.index_cast %parallel_loop3A_24 : i32 to index
        %parallel_loop3A_29 = tpu.vector_load %arg10[%parallel_loop3A_28] {strides = array<i32>} : memref<1152xi32, #tpu.memory_space<vmem>>, vector<16xi32>,
        tpu.vector_store %arg10[%parallel_loop3A_28], %parallel_loop3A_27 {strides = array<i32>} : memref<1152xi32, #tpu.memory_space<vmem>>, vector<16xi32>,
      } {sc.loop_unroll_factor = 8 : i64, sc.parallel_access}
      "tpu.region"() ({
        %run_scoped3A = tpu.sem_alloc : memref<!tpu.dma_semaphore, #tpu.memory_space<semaphore_mem>>
        %dma_start3A_24 = arith.constant 1998848 : i32
        %dma_start3A_25 = tpu.memref_slice %arg4[%dma_start3A_24] : memref<2000000xi32, #tpu.memory_space<hbm>> -> memref<1152xi32, #tpu.memory_space<hbm>>
        %dma_start3A_26 = arith.constant 1998848 : i32
        %dma_start3A_27 = tpu.memref_slice %arg4[%dma_start3A_26] : memref<2000000xi32, #tpu.memory_space<hbm>> -> memref<1152xi32, #tpu.memory_space<hbm>>
        tpu.enqueue_dma source(%arg10 : memref<1152xi32, #tpu.memory_space<vmem>>) target(%dma_start3A_27 : memref<1152xi32, #tpu.memory_space<hbm>>) target_semaphore(%run_scoped3A : memref<!tpu.dma_semaphore, #tpu.memory_space<semaphore_mem>>)
        %dma_wait3A_28 = arith.constant 1998848 : i32
        %dma_wait3A_29 = tpu.memref_slice %arg4[%dma_wait3A_28] : memref<2000000xi32, #tpu.memory_space<hbm>> -> memref<1152xi32, #tpu.memory_space<hbm>>
        %dma_wait3A_30 = arith.constant 1998848 : i32
        %dma_wait3A_31 = tpu.memref_slice %arg4[%dma_wait3A_30] : memref<2000000xi32, #tpu.memory_space<hbm>> -> memref<1152xi32, #tpu.memory_space<hbm>>
        tpu.wait_dma2 semaphore(%run_scoped3A : memref<!tpu.dma_semaphore, #tpu.memory_space<semaphore_mem>>) src(%arg10 : memref<1152xi32, #tpu.memory_space<vmem>>) dst(%dma_wait3A_31 : memref<1152xi32, #tpu.memory_space<hbm>>)
        tpu.yield
      }) : () -> ()
    } else {
    }
    return
  }
}

</mosaic_0001>

<sc_bundles>
// kernel: kernel.3.cloned.1.call-start
scs
__scs_entry_jumppad:
0x0: {  	(pc) =	sbr.rel $0x88, $3  }
0x1: {  	(tag) =	ssettag $0x0;
	lr =	simm.s32 $0x1  }
0x2: {  	[smem:$0x3F9E] =	sst lr;
	_ =	strace $0xD0000000  }
0x3: {  	_ = 	snop  }
0x4: {  	_ = 	snop  }
0x5: {  	_ = 	snop  }
0x6: {  	_ = 	snop  }
0x7: {  	_ = 	snop  }
__scs_overlays_trampoline_lowered:
0x8: {  	[smem:$0x3FAD] =	sst s0  }
0x9: {  	[smem:$0x3FAE] =	sst s1  }
0xa: {  	[smem:$0x3FAF] =	sst s2  }
0xb: {  	[smem:$0x3FB0] =	sst s3  }
0xc: {  	[smem:$0x3FB1] =	sst s4  }
0xd: {  	[smem:$0x3FB2] =	sst s5  }
0xe: {  	[smem:$0x3FB3] =	sst s6  }
0xf: {  	[smem:$0x3FB4] =	sst s7  }
0x10: {  	[smem:$0x3FB5] =	sst s8  }
0x11: {  	[smem:$0x3FB6] =	sst s9;
	s0 =	simm.s32 @!p0 $0x0  }
0x12: {  	s1 =	sld [smem:$0x3F9C];
	s0 =	simm.s32 @p0 $0x1  }
0x13: {  	[smem:$0x3FB7] =	sst s0;
	s0 =	simm.s32 @!p1 $0x0  }
0x14: {  	s2 =	sld [smem:$0x3F9B];
	s0 =	simm.s32 @p1 $0x1  }
0x15: {  	[smem:$0x3FB8] =	sst s0;
	s0 =	simm.s32 @!p2 $0x0  }
0x16: {  	s3 =	sld [smem:$0x3FDB];
	s0 =	simm.s32 @p2 $0x1  }
0x17: {  	s4 =	simm.s32 $0x1BF5;
	[smem:$0x3FBA] =	sst s0  }
0x18: {  	s0 =	sld [smem:$0x3F9D];
	_ =	swait.ge [sflag:s4], $0x0  }
0x19: {  	s7 =	sld [smem:$0x3F9E]  }
0x1a: {  	s8 =	sadd.s32 $0xFFFFE003, lr  }
0x1b: {  	s9 =	sadd.s32 $0xFFFFFEF7, lr;
	s5 =	simm.s32 $0xFFFFFFFF;
	p2 =	slt.u32 s8, $0xFFFFF086  }
0x1c: {  	p1 =	slt.u32 s9, $0xF7A;
	s5 =	simm.s32 @!p2 $0x0  }
0x1d: {  	s5 =	simm.s32 @p1 $0x1;
	p0 =	seq.s32 s7, s2  }
0x1e: {  	s7 =	smul.u32 @!p0 $0xF7A, s2;
	p2 =	seq.s32 @!p0 s5, $0x0  }
0x1f: {  	s9 =	smul.u32 $0xF7A, s1;
	s8 =	simm.s32 @!p0 $0x1BF5;
	p2 =	por !p2, p0  }
0x20: {  	[sflag:s8] =	ssyncset.s32 @!p0 $0xFFFFF086;
	s6 =	sadd.s32 @!p0 s3, s7;
	s7 =	simm.s32 @!p0 $0x108  }
0x21: {  	s3 =	sadd.s32 s3, s9;
	s6 =	sadd.s32 @!p0 $0x88, s6;
	s7 =	simm.s32 @p2 $0x1082  }
0x22: {  	[simem:s7], [sflag:s8] =	dma.local @!p0 [hbm:s6], $0xF7A  }
0x23: {  	s9 =	sor.u32 $0xD0000000, s2;
	s6 =	simm.s32 $0x108;
	_ =	swait.ge @!p0 [sflag:s8], $0x0  }
0x24: {  	s3 =	sadd.s32 $0x88, s3;
	s6 =	simm.s32 @!p1 $0x1082;
	[sflag:s4] =	ssyncset.s32 $0xFFFFF086  }
0x25: {  	[simem:s6], [sflag:s4] =	dma.local [hbm:s3], $0xF7A  }
0x26: {  	[smem:$0x3F9E] =	sst s1;
	(tag) =	ssettag s2;
	_ =	strace s9  }
0x27: {  	s1 =	sld [smem:$0x3FAE]  }
0x28: {  	s2 =	sld [smem:$0x3FAF]  }
0x29: {  	s4 =	sld [smem:$0x3FB1]  }
0x2a: {  	p0 =	seq.s32 s5, $0x0;
	s5 =	sld [smem:$0x3FB2]  }
0x2b: {  	s6 =	sld [smem:$0x3FB3]  }
0x2c: {  	s7 =	sld [smem:$0x3FB4]  }
0x2d: {  	s3 =	simm.s32 $0x108;
	s8 =	sld [smem:$0x3FB5]  }
0x2e: {  	s3 =	simm.s32 @!p0 $0x1082;
	s9 =	sld [smem:$0x3FB6]  }
0x2f: {  	lr =	sadd.s32 s0, s3;
	s0 =	sld [smem:$0x3FAD]  }
0x30: {  	s3 =	sld [smem:$0x3FB0]  }
0x31: {  	[smem:$0x3FB9] =	sst s10  }
0x32: {  	s10 =	sld [smem:$0x3FB7];
	_ =	sdelay $0x3  }
0x33: {  	p0 =	seq.s32 s10, $0x1;
	s10 =	sld [smem:$0x3FB9];
	_ =	sdelay $0x3  }
0x34: {  	[smem:$0x3FB9] =	sst s10  }
0x35: {  	s10 =	sld [smem:$0x3FB8];
	_ =	sdelay $0x3  }
0x36: {  	p1 =	seq.s32 s10, $0x1;
	s10 =	sld [smem:$0x3FB9];
	_ =	sdelay $0x3  }
0x37: {  	[smem:$0x3FB9] =	sst s10  }
0x38: {  	s10 =	sld [smem:$0x3FBA]  }
0x39: {  	_ = 	snop;
	(pc) =	sbr.ind lr, $3  }
0x3a: {  	_ = 	snop  }
0x3b: {  	_ = 	snop  }
0x3c: {  	p2 =	seq.s32 s10, $0x1;
	s10 =	sld [smem:$0x3FB9]  }
0x3d: {  	_ =	shalt  }
0x3e: {  	_ =	shalt  }
0x3f: {  	_ =	shalt  }
0x40: {  	_ =	shalt  }
0x41: {  	_ =	shalt  }
0x42: {  	_ =	shalt  }
0x43: {  	_ =	shalt  }
0x44: {  	_ =	shalt  }
0x45: {  	_ =	shalt  }
0x46: {  	_ =	shalt  }
0x47: {  	_ =	shalt  }
0x48: {  	_ =	shalt  }
0x49: {  	_ =	shalt  }
0x4a: {  	_ =	shalt  }
0x4b: {  	_ =	shalt  }
0x4c: {  	_ =	shalt  }
0x4d: {  	_ =	shalt  }
0x4e: {  	_ =	shalt  }
0x4f: {  	_ =	shalt  }
0x50: {  	_ =	shalt  }
0x51: {  	_ =	shalt  }
0x52: {  	_ =	shalt  }
0x53: {  	_ =	shalt  }
0x54: {  	_ =	shalt  }
0x55: {  	_ =	shalt  }
0x56: {  	_ =	shalt  }
0x57: {  	_ =	shalt  }
0x58: {  	_ =	shalt  }
0x59: {  	_ =	shalt  }
0x5a: {  	_ =	shalt  }
0x5b: {  	_ =	shalt  }
0x5c: {  	_ =	shalt  }
0x5d: {  	_ =	shalt  }
0x5e: {  	_ =	shalt  }
0x5f: {  	_ =	shalt  }
0x60: {  	_ =	shalt  }
0x61: {  	_ =	shalt  }
0x62: {  	_ =	shalt  }
0x63: {  	_ =	shalt  }
0x64: {  	_ =	shalt  }
0x65: {  	_ =	shalt  }
0x66: {  	_ =	shalt  }
0x67: {  	_ =	shalt  }
0x68: {  	_ =	shalt  }
0x69: {  	_ =	shalt  }
0x6a: {  	_ =	shalt  }
0x6b: {  	_ =	shalt  }
0x6c: {  	_ =	shalt  }
0x6d: {  	_ =	shalt  }
0x6e: {  	_ =	shalt  }
0x6f: {  	_ =	shalt  }
0x70: {  	_ =	shalt  }
0x71: {  	_ =	shalt  }
0x72: {  	_ =	shalt  }
0x73: {  	_ =	shalt  }
0x74: {  	_ =	shalt  }
0x75: {  	_ =	shalt  }
0x76: {  	_ =	shalt  }
0x77: {  	_ =	shalt  }
0x78: {  	_ =	shalt  }
0x79: {  	_ =	shalt  }
0x7a: {  	_ =	shalt  }
0x7b: {  	_ =	shalt  }
0x7c: {  	_ =	shalt  }
0x7d: {  	_ =	shalt  }
0x7e: {  	_ =	shalt  }
0x7f: {  	_ =	shalt  }
0x80: {  	_ =	shalt  }
0x81: {  	_ =	shalt  }
0x82: {  	_ =	shalt  }
0x83: {  	_ =	shalt  }
0x84: {  	_ =	shalt  }
0x85: {  	_ =	shalt  }
0x86: {  	_ =	shalt  }
0x87: {  	_ =	shalt  }
.Lfunc_end0:
.L_simem_size_0:
called_computation_lowered:
.L_overlay_start_0:
0x88: {  	s2 =	sld [smem:$0x3FD9]  }
0x89: {  	s3 =	sld [smem:$0x3FFE];
	_ =	sdelay $0x1  }
0x8a: {  	s1 =	srdreg.scid  }
0x8b: {  	s0 =	sand.u32 $0x1, s1  }
0x8c: {  	s15 =	sshll.u32 s0, $0xA;
	s2 =	sadd.s32 s3, s2  }
0x8d: {  	s2 =	sadd.s32 s2, s15  }
0x8e: {  	[smem:$0x3FC5] =	sst s2  }
0x8f: {  	_ = 	snop  }
0x90: {  	s2 =	sld [smem:$0x3FD0];
	_ =	sdelay $0x1  }
0x91: {  	s16 =	sld [smem:$0x3FC9]  }
0x92: {  	s5 =	simm.s32 $0xA;
	s6 =	simm.s32 $0x10;
	s4 =	sld [smem:$0x3FC7]  }
0x93: {  	[smem:s6], [sflag:s5] =	dma.local [hbm:s2], $0x1  }
0x94: {  	_ =	swait.eq [sflag:s5], $0x1  }
0x95: {  	[sflag:s5] =	ssyncset.done $0x0  }
0x96: {  	[sflag:s5] =	ssyncadd.s32 $0xFFFFFFFF  }
0x97: {  	s17 =	sld [smem:$0x10];
	(tm) =	ssettm $0x1  }
0x98: {  	s18 =	sld [smem:$0x3FFB];
	_ =	sdelay $0x3  }
0x99: {  	_ =	strace s18  }
0x9a: {  	s5 =	sld [smem:$0x3FFC];
	_ =	sdelay $0x3  }
0x9b: {  	_ =	strace s5  }
0x9c: {  	s5 =	sld [smem:$0x3FFD];
	_ =	sdelay $0x3  }
0x9d: {  	_ =	strace s5  }
0x9e: {  	_ =	strace $0x8FFFFFFF  }
0x9f: {  	s19 =	sld [smem:$0x3FDB];
	_ =	sdelay $0x1  }
0xa0: {  	s20 =	simm.s32 $_scs_section_size  }
0xa1: {  	s7 =	simm.s32 $_size__tile_overlayer_lowered;
	s8 =	simm.s32 $_tile_overlayer_lowered  }
0xa2: {  	s23 =	simm.s32 $0x1BFF;
	s22 =	sshll.u32 s8, $0x1;
	s5 =	sadd.s32 s20, s19  }
0xa3: {  	s9 =	simm.s32 $0x0;
	s21 =	sshll.u32 s7, $0x1;
	s7 =	sadd.s32 s22, s5  }
0xa4: {  	[timem:s9], [sflag:s23] =	dma.local [hbm:s7], s21  }
0xa5: {  	_ =	swait.ge [sflag:s23], s21  }
0xa6: {  	s6 =	ssub.s32 $0x0, s21;
	[sflag:s23] =	ssyncset.done $0x0  }
0xa7: {  	[sflag:s23] =	ssyncadd.s32 s6;
	_ =	sdelay $0x1  }
0xa8: {  	s24 =	simm.s32 $0x1B8B  }
0xa9: {  	_ =	swait.ge [sflag:s24], $0x1  }
0xaa: {  	[sflag:s24] =	ssyncset.done $0x0  }
0xab: {  	s25 =	simm.s32 $0x1B8E;
	[sflag:s24] =	ssyncadd.s32 $0xFFFFFFFF  }
0xac: {  	s26 =	simm.s32 $execute0_lowered;
	[smem:$0x3FD2] =	sst s25  }
0xad: {  	s6 =	sshll.u32 s26, $0x1;
	_ =	strace $0x80000046;
	[dreg:$0x1] =	wrdreg $0xFFFFFFFF  }
0xae: {  	s28 =	simm.s32 $_size_execute0_lowered;
	s5 =	sadd.s32 s5, s6;
	[dreg:$0x0] =	wrdreg $0x0  }
0xaf: {  	s6 =	sshll.u32 s28, $0x1;
	[dreg:$0x2] =	wrdreg s5  }
0xb0: {  	[dreg:$0x3] =	wrdreg s6  }
0xb1: {  	[dreg:$0x4] =	wrdreg $0xC0  }
0xb2: {  	_ =	task [dreg:s9], $0x5FFFF  }
0xb3: {  	[dreg:$0x1] =	wrdreg $0xFFFFFFFF  }
0xb4: {  	[dreg:$0x0] =	wrdreg $0x60  }
0xb5: {  	[dreg:$0x2] =	wrdreg s16  }
0xb6: {  	[dreg:$0x3] =	wrdreg s4  }
0xb7: {  	[dreg:$0x4] =	wrdreg s17  }
0xb8: {  	[dreg:$0x5] =	wrdreg $0x9  }
0xb9: {  	_ =	task.clear_ibuf [dreg:s9], $0x6FFFF;
	_ =	strace $0x90000046  }
0xba: {  	s29 =	simm.s32 $0x9;
	_ =	strace $0x80000048  }
0xbb: {  	_ =	swait.ge [sflag:s29], $0x1  }
0xbc: {  	[sflag:s29] =	ssyncadd.s32 $0xFFFFFFFF  }
0xbd: {  	_ =	strace $0x90000048  }
0xbe: {  	_ =	sfence  }
0xbf: {  	s30 =	sld [smem:$0x0];
	_ =	sdelay $0x2  }
0xc0: {  	s31 =	sshll.u32 s1, $0xD;
	s1 =	sshrl.u32 s1, $0x2  }
0xc1: {  	s3 =	sand.u32 $0x4000, s31;
	s1 =	sadd.s32 s1, s30  }
0xc2: {  	s0 =	sor.u32 s3, s0;
	s1 =	sshll.u32 s1, $0x11  }
0xc3: {  	s0 =	sor.u32 s1, s0  }
0xc4: {  	s0 =	sadd.s32 $0x8F2B, s0  }
0xc5: {  	[sflag:s0] =	ssyncadd.remote.s32 $0x1  }
0xc6: {  	_ =	sfence.sel $0xFFFF  }
0xc7: {  	[dreg:$0x0] =	wrdreg $0xFFFFFFFF;
	(pc) =	sbr.abs _section_cstart, $3  }
0xc8: {  	[dreg:$0x1] =	wrdreg $0xFFFFFFFF  }
0xc9: {  	_ =	task.clear_ibuf [dreg:s9], $0x2FFFF;
	_ =	strace $0x9FFFFFFF  }
0xca: {  	(tm) =	ssettm $0x7FFFFFFF  }
0xcb: {  	_ =	shalt  }
tec
execute0_lowered:
.L_overlay_start_1:
0x0: {  	(tag) =	ssettag $0x1  }
0x1: {  	s1 =	rddreg [dreg:$0x0];
	s2 =	srdreg.scid  }
0x2: {  	s0 =	stileid.u32;
	s3 =	rddreg [dreg:$0x1]  }
0x3: {  	s4 =	rddreg [dreg:$0x2];
	s5 =	simm.s32 $0x0;
	s13 =	simm.s32 $0x80  }
0x4: {  	s14 =	simm.s32 $0x3D80;
	s15 =	simm.s32 $0x5;
	s16 =	simm.s32 $0x1  }
0x5: {  	s17 =	simm.s32 $0x7A80;
	s18 =	simm.s32 $0x2;
	s19 =	simm.s32 $0xB780  }
0x6: {  	s21 =	simm.s32 $0x4;
	s7 =	sand.u32 $0x1, s2;
	s31 =	sshll.u32 s0, $0x1  }
0x7: {  	s22 =	simm.s32 $0xF480;
	s2 =	rddreg [dreg:$0x3];
	s20 =	sor.u32 s7, s31  }
0x8: {  	s23 =	simm.s32 $0x0;
	[smem:$0x7FF] =	sst s5;
	s6 =	smul.u32 $0xF400, s20  }
.Ltmp0:
0x9: {  	_ =	strace $0x80000047;
	s8 =	ssub.s32 $0x2, s7;
	(pc) =	sbr.rel .LBB2_1-.Ltmp0, $4  }
0xa: {  	s9 =	sshrl.u32 s8, $0x1;
	p0 =	sne.s32 s20, $0x0;
	s20 =	simm.s32 $0x3  }
0xb: {  	s12 =	ssub.s32 s8, s9;
	s7 =	sadd.s32 $0x3D00, s6;
	s10 =	sshrl.u32 s6, $0x3  }
0xc: {  	s12 =	smax.u32 s12, $0x1;
	s11 =	sshrl.u32 s7, $0x3;
	s8 =	sadd.s32 s1, s10  }
0xd: {  	s10 =	sadd.s32 $0x3D000, s1;
	s9 =	sadd.s32 s1, s11;
	s11 =	sadd.s32 $0x3D000, s4  }
.LBB2_8:
0xe: {  	_ =	swait.ge [sflag:s20], $0x3D00  }
.Ltmp1:
0xf: {  	[sflag:s20] =	ssyncset.done $0x0;
	(pc) =	sbr.rel @!p0 .LBB2_9-.Ltmp1, $4  }
0x10: {  	[sflag:s20] =	ssyncadd.s32 $0xFFFFC300  }
0x11: {  	_ =	swait.ge [sflag:s21], $0x3D00  }
0x12: {  	[sflag:s21] =	ssyncset.done $0x0  }
0x13: {  	[sflag:s21] =	ssyncadd.s32 $0xFFFFC300  }
.LBB2_12:
0x14: {  	s23 =	sadd.s32 $0x1, s23  }
0x15: {  	p1 =	sne.s32 s23, s12  }
.Ltmp2:
0x16: {  	_ = 	snop;
	(pc) =	sbr.rel @!p1 .LBB2_13-.Ltmp2, $1  }
0x17: {  	_ =	sdelay $0x3  }
.LBB2_1:
0x18: {  	[tilespmem:s13], [sflag:$0x1] =	stream.linear.gather [hbm4b:s8+s5], $0x3D00, $0x38;
	[tilespmem:$0xF900] =	vst v63  }
0x19: {  	_ = 	snop  }
0x1a: {  	[tilespmem:s14], [sflag:$0x2] =	stream.linear.gather [hbm4b:s9+s5], $0x3D00, $0x38;
	[tilespmem:$0xF900] =	vst v63  }
0x1b: {  	_ = 	snop  }
0x1c: {  	[tilespmem:s5], [sflag:$0x5] =	stream.linear.gather [hbm4b:s3+s5], $0x80, $0x38;
	[tilespmem:$0xF900] =	vst v63  }
0x1d: {  	_ =	swait.ge [sflag:s15], $0x80  }
0x1e: {  	[sflag:s15] =	ssyncset.done $0x0  }
0x1f: {  	p1 =	por $0x0, $0x0;
	s24 =	simm.s32 $0x0;
	[sflag:s15] =	ssyncadd.s32 $0xFFFFFF80  }
.LBB2_2:
0x20: {  	_ =	swait.ge [sflag:s16], $0x3D00  }
0x21: {  	[sflag:s16] =	ssyncset.done $0x0  }
0x22: {  	s25 =	simm.s32 @p1 $0x3;
	[sflag:s16] =	ssyncadd.s32 $0xFFFFC300  }
0x23: {  	_ =	swait.ge @p1 [sflag:s25], $0x3D00  }
0x24: {  	[sflag:s25] =	ssyncset.done @p1 $0x0  }
0x25: {  	s31 =	simm.s32 $0x100;
	[sflag:s25] =	ssyncadd.s32 @p1 $0xFFFFC300  }
0x26: {  	v0 =	vld [tilespmem:s31+$0x70]  }
0x27: {  	v1 =	vld [tilespmem:s31+$0xFFFFFF90]  }
0x28: {  	v2 =	vld [tilespmem:s31+$0xFFFFFFA0]  }
0x29: {  	v3 =	vld [tilespmem:s31+$0xFFFFFFB0]  }
0x2a: {  	v4 =	vld [tilespmem:s31+$0xFFFFFFC0]  }
0x2b: {  	v5 =	vld [tilespmem:s31+$0xFFFFFFD0]  }
0x2c: {  	v6 =	vld [tilespmem:s31+$0xFFFFFFE0]  }
0x2d: {  	v7 =	vld [tilespmem:s31+$0xFFFFFFF0]  }
0x2e: {  	v8 =	vld [tilespmem:s31+$0x0]  }
0x2f: {  	v9 =	vld [tilespmem:s31+$0x10]  }
0x30: {  	v10 =	vld [tilespmem:s31+$0x20]  }
0x31: {  	v11 =	vld [tilespmem:s31+$0x30]  }
0x32: {  	v12 =	vld [tilespmem:s31+$0x40]  }
0x33: {  	v13 =	vld [tilespmem:s31+$0x50]  }
0x34: {  	v14 =	vld [tilespmem:s31+$0x60]  }
0x35: {  	v15 =	vld [tilespmem:s31+$0xFFFFFF80]  }
0x36: {  	v0 =	vld.idx.msk [tilespmem:v0+s5+$0x0], $0xffff  }
0x37: {  	v1 =	vld.idx.msk [tilespmem:v1+s5+$0x0], $0xffff  }
0x38: {  	v2 =	vld.idx.msk [tilespmem:v2+s5+$0x0], $0xffff  }
0x39: {  	v3 =	vld.idx.msk [tilespmem:v3+s5+$0x0], $0xffff  }
0x3a: {  	v4 =	vld.idx.msk [tilespmem:v4+s5+$0x0], $0xffff  }
0x3b: {  	s25 =	simm.s32 $0x7B00;
	v5 =	vld.idx.msk [tilespmem:v5+s5+$0x0], $0xffff  }
0x3c: {  	v6 =	vld.idx.msk [tilespmem:v6+s5+$0x0], $0xffff;
	[tilespmem:s25+$0x70] =	vst v0  }
0x3d: {  	v7 =	vld.idx.msk [tilespmem:v7+s5+$0x0], $0xffff;
	[tilespmem:s25+$0xFFFFFF90] =	vst v1  }
0x3e: {  	v15 =	vld.idx.msk [tilespmem:v15+s5+$0x0], $0xffff;
	[tilespmem:s25+$0xFFFFFFA0] =	vst v2  }
0x3f: {  	v8 =	vld.idx.msk [tilespmem:v8+s5+$0x0], $0xffff;
	[tilespmem:s25+$0xFFFFFFB0] =	vst v3  }
0x40: {  	[tilespmem:s25+$0xFFFFFFC0] =	vst v4;
	v0 =	vld.idx.msk [tilespmem:v9+s5+$0x0], $0xffff  }
0x41: {  	[tilespmem:s25+$0xFFFFFFD0] =	vst v5;
	v1 =	vld.idx.msk [tilespmem:v10+s5+$0x0], $0xffff  }
0x42: {  	[tilespmem:s25+$0xFFFFFFE0] =	vst v6;
	v2 =	vld.idx.msk [tilespmem:v11+s5+$0x0], $0xffff  }
0x43: {  	[tilespmem:s25+$0xFFFFFFF0] =	vst v7;
	v3 =	vld.idx.msk [tilespmem:v12+s5+$0x0], $0xffff  }
0x44: {  	[tilespmem:s25+$0xFFFFFF80] =	vst v15;
	v4 =	vld.idx.msk [tilespmem:v13+s5+$0x0], $0xffff  }
0x45: {  	s26 =	sadd.s32 s6, s24;
	s28 =	simm.s32 $0x0;
	s29 =	simm.s32 $0x200;
	[tilespmem:s25+$0x0] =	vst v8;
	v5 =	vld.idx.msk [tilespmem:v14+s5+$0x0], $0xffff  }
.LBB2_3:
0x46: {  	v6 =	vld [tilespmem:s29+$0x70];
	s28 =	sadd.s32 $0x100, s28;
	[tilespmem:s25+$0x10] =	vst v0  }
0x47: {  	v0 =	vld [tilespmem:s29+$0xFFFFFF90];
	p2 =	slt.u32 s28, $0x3C00;
	[tilespmem:s25+$0x20] =	vst v1  }
0x48: {  	v1 =	vld [tilespmem:s29+$0xFFFFFFA0];
	[tilespmem:s25+$0x30] =	vst v2  }
0x49: {  	v2 =	vld [tilespmem:s29+$0xFFFFFFB0];
	[tilespmem:s25+$0x40] =	vst v3  }
0x4a: {  	v3 =	vld [tilespmem:s29+$0xFFFFFFC0];
	[tilespmem:s25+$0x50] =	vst v4  }
0x4b: {  	v4 =	vld [tilespmem:s29+$0xFFFFFFD0];
	[tilespmem:s25+$0x60] =	vst v5  }
0x4c: {  	v5 =	vld [tilespmem:s29+$0xFFFFFFE0]  }
0x4d: {  	v7 =	vld [tilespmem:s29+$0xFFFFFFF0]  }
0x4e: {  	v6 =	vld.idx.msk [tilespmem:v6+s5+$0x0], $0xffff  }
0x4f: {  	v8 =	vld [tilespmem:s29+$0x0]  }
0x50: {  	v9 =	vld [tilespmem:s29+$0x10]  }
0x51: {  	v10 =	vld [tilespmem:s29+$0x20]  }
0x52: {  	v11 =	vld [tilespmem:s29+$0x30]  }
0x53: {  	s25 =	sadd.s32 $0x100, s25;
	v12 =	vld [tilespmem:s29+$0x40]  }
0x54: {  	v13 =	vld [tilespmem:s29+$0x50];
	[tilespmem:s25+$0x70] =	vst v6  }
0x55: {  	v6 =	vld [tilespmem:s29+$0x60]  }
0x56: {  	v14 =	vld [tilespmem:s29+$0xFFFFFF80]  }
0x57: {  	v0 =	vld.idx.msk [tilespmem:v0+s5+$0x0], $0xffff  }
0x58: {  	v1 =	vld.idx.msk [tilespmem:v1+s5+$0x0], $0xffff  }
0x59: {  	v2 =	vld.idx.msk [tilespmem:v2+s5+$0x0], $0xffff  }
0x5a: {  	v3 =	vld.idx.msk [tilespmem:v3+s5+$0x0], $0xffff  }
0x5b: {  	v4 =	vld.idx.msk [tilespmem:v4+s5+$0x0], $0xffff  }
0x5c: {  	v5 =	vld.idx.msk [tilespmem:v5+s5+$0x0], $0xffff  }
0x5d: {  	[tilespmem:s25+$0xFFFFFF90] =	vst v0;
	v7 =	vld.idx.msk [tilespmem:v7+s5+$0x0], $0xffff  }
0x5e: {  	v14 =	vld.idx.msk [tilespmem:v14+s5+$0x0], $0xffff;
	[tilespmem:s25+$0xFFFFFFA0] =	vst v1  }
0x5f: {  	[tilespmem:s25+$0xFFFFFFB0] =	vst v2;
	v8 =	vld.idx.msk [tilespmem:v8+s5+$0x0], $0xffff  }
0x60: {  	[tilespmem:s25+$0xFFFFFFC0] =	vst v3;
	v0 =	vld.idx.msk [tilespmem:v9+s5+$0x0], $0xffff  }
.Ltmp3:
0x61: {  	[tilespmem:s25+$0xFFFFFFD0] =	vst v4;
	v1 =	vld.idx.msk [tilespmem:v10+s5+$0x0], $0xffff;
	(pc) =	sbr.rel @p2 .LBB2_3-.Ltmp3, $4  }
0x62: {  	[tilespmem:s25+$0xFFFFFFE0] =	vst v5;
	v2 =	vld.idx.msk [tilespmem:v11+s5+$0x0], $0xffff  }
0x63: {  	[tilespmem:s25+$0xFFFFFFF0] =	vst v7;
	v3 =	vld.idx.msk [tilespmem:v12+s5+$0x0], $0xffff  }
0x64: {  	[tilespmem:s25+$0xFFFFFF80] =	vst v14;
	v4 =	vld.idx.msk [tilespmem:v13+s5+$0x0], $0xffff  }
0x65: {  	s29 =	sadd.s32 $0x100, s29;
	[tilespmem:s25+$0x0] =	vst v8;
	v5 =	vld.idx.msk [tilespmem:v6+s5+$0x0], $0xffff  }
0x66: {  	[tilespmem:s25+$0x10] =	vst v0  }
0x67: {  	[tilespmem:s25+$0x20] =	vst v1  }
0x68: {  	[tilespmem:s25+$0x30] =	vst v2  }
0x69: {  	[tilespmem:s25+$0x40] =	vst v3  }
0x6a: {  	s28 =	sshrl.u32 s26, $0x3;
	[tilespmem:s25+$0x50] =	vst v4  }
0x6b: {  	s30 =	sadd.s32 s4, s28;
	[tilespmem:s25+$0x60] =	vst v5;
	s25 =	sshrl.u32 @!p1 s26, $0x3  }
0x6c: {  	[hbm4b:s30+s5] =	stream.linear.scatter [tilespmem:s17], [sflag:$0x3], $0x3D00, $0x38;
	[tilespmem:$0xF900] =	vst v63  }
0x6d: {  	s25 =	sadd.s32 @!p1 s1, s25  }
0x6e: {  	s28 =	simm.s32 @!p1 $0x80;
	s26 =	simm.s32 @!p1 $0x0;
	s25 =	sadd.s32 @!p1 $0xF40, s25  }
0x6f: {  	[tilespmem:s28], [sflag:$0x1] =	stream.linear.gather @!p1 [hbm4b:s25+s26], $0x3D00, $0x38;
	[tilespmem:$0xF900] =	vst v63  }
0x70: {  	_ =	swait.ge [sflag:s18], $0x3D00  }
0x71: {  	[sflag:s18] =	ssyncset.done $0x0  }
0x72: {  	s25 =	simm.s32 @p1 $0x4;
	[sflag:s18] =	ssyncadd.s32 $0xFFFFC300  }
0x73: {  	_ =	swait.ge @p1 [sflag:s25], $0x3D00  }
0x74: {  	[sflag:s25] =	ssyncset.done @p1 $0x0  }
0x75: {  	s31 =	simm.s32 $0x3E00;
	[sflag:s25] =	ssyncadd.s32 @p1 $0xFFFFC300  }
0x76: {  	v0 =	vld [tilespmem:s31+$0x70]  }
0x77: {  	v1 =	vld [tilespmem:s31+$0xFFFFFF90]  }
0x78: {  	v2 =	vld [tilespmem:s31+$0xFFFFFFA0]  }
0x79: {  	v3 =	vld [tilespmem:s31+$0xFFFFFFB0]  }
0x7a: {  	v4 =	vld [tilespmem:s31+$0xFFFFFFC0]  }
0x7b: {  	v5 =	vld [tilespmem:s31+$0xFFFFFFD0]  }
0x7c: {  	v6 =	vld [tilespmem:s31+$0xFFFFFFE0]  }
0x7d: {  	v7 =	vld [tilespmem:s31+$0xFFFFFFF0]  }
0x7e: {  	v8 =	vld [tilespmem:s31+$0x0]  }
0x7f: {  	v9 =	vld [tilespmem:s31+$0x10]  }
0x80: {  	v10 =	vld [tilespmem:s31+$0x20]  }
0x81: {  	v11 =	vld [tilespmem:s31+$0x30]  }
0x82: {  	v12 =	vld [tilespmem:s31+$0x40]  }
0x83: {  	v13 =	vld [tilespmem:s31+$0x50]  }
0x84: {  	v14 =	vld [tilespmem:s31+$0x60]  }
0x85: {  	v15 =	vld [tilespmem:s31+$0xFFFFFF80]  }
0x86: {  	v0 =	vld.idx.msk [tilespmem:v0+s5+$0x0], $0xffff  }
0x87: {  	v1 =	vld.idx.msk [tilespmem:v1+s5+$0x0], $0xffff  }
0x88: {  	v2 =	vld.idx.msk [tilespmem:v2+s5+$0x0], $0xffff  }
0x89: {  	v3 =	vld.idx.msk [tilespmem:v3+s5+$0x0], $0xffff  }
0x8a: {  	v4 =	vld.idx.msk [tilespmem:v4+s5+$0x0], $0xffff  }
0x8b: {  	s25 =	simm.s32 $0xB800;
	v5 =	vld.idx.msk [tilespmem:v5+s5+$0x0], $0xffff  }
0x8c: {  	v6 =	vld.idx.msk [tilespmem:v6+s5+$0x0], $0xffff;
	[tilespmem:s25+$0x70] =	vst v0  }
0x8d: {  	v7 =	vld.idx.msk [tilespmem:v7+s5+$0x0], $0xffff;
	[tilespmem:s25+$0xFFFFFF90] =	vst v1  }
0x8e: {  	v15 =	vld.idx.msk [tilespmem:v15+s5+$0x0], $0xffff;
	[tilespmem:s25+$0xFFFFFFA0] =	vst v2  }
0x8f: {  	v8 =	vld.idx.msk [tilespmem:v8+s5+$0x0], $0xffff;
	[tilespmem:s25+$0xFFFFFFB0] =	vst v3  }
0x90: {  	[tilespmem:s25+$0xFFFFFFC0] =	vst v4;
	v0 =	vld.idx.msk [tilespmem:v9+s5+$0x0], $0xffff  }
0x91: {  	[tilespmem:s25+$0xFFFFFFD0] =	vst v5;
	v1 =	vld.idx.msk [tilespmem:v10+s5+$0x0], $0xffff  }
0x92: {  	[tilespmem:s25+$0xFFFFFFE0] =	vst v6;
	v2 =	vld.idx.msk [tilespmem:v11+s5+$0x0], $0xffff  }
0x93: {  	[tilespmem:s25+$0xFFFFFFF0] =	vst v7;
	v3 =	vld.idx.msk [tilespmem:v12+s5+$0x0], $0xffff  }
0x94: {  	[tilespmem:s25+$0xFFFFFF80] =	vst v15;
	v4 =	vld.idx.msk [tilespmem:v13+s5+$0x0], $0xffff  }
0x95: {  	s24 =	sadd.s32 s24, s7;
	s26 =	simm.s32 $0x0;
	s28 =	simm.s32 $0x3F00;
	[tilespmem:s25+$0x0] =	vst v8;
	v5 =	vld.idx.msk [tilespmem:v14+s5+$0x0], $0xffff  }
.LBB2_5:
0x96: {  	v6 =	vld [tilespmem:s28+$0x70];
	s26 =	sadd.s32 $0x100, s26;
	[tilespmem:s25+$0x10] =	vst v0  }
0x97: {  	v0 =	vld [tilespmem:s28+$0xFFFFFF90];
	p2 =	slt.u32 s26, $0x3C00;
	[tilespmem:s25+$0x20] =	vst v1  }
0x98: {  	v1 =	vld [tilespmem:s28+$0xFFFFFFA0];
	[tilespmem:s25+$0x30] =	vst v2  }
0x99: {  	v2 =	vld [tilespmem:s28+$0xFFFFFFB0];
	[tilespmem:s25+$0x40] =	vst v3  }
0x9a: {  	v3 =	vld [tilespmem:s28+$0xFFFFFFC0];
	[tilespmem:s25+$0x50] =	vst v4  }
0x9b: {  	v4 =	vld [tilespmem:s28+$0xFFFFFFD0];
	[tilespmem:s25+$0x60] =	vst v5  }
0x9c: {  	v5 =	vld [tilespmem:s28+$0xFFFFFFE0]  }
0x9d: {  	v7 =	vld [tilespmem:s28+$0xFFFFFFF0]  }
0x9e: {  	v6 =	vld.idx.msk [tilespmem:v6+s5+$0x0], $0xffff  }
0x9f: {  	v8 =	vld [tilespmem:s28+$0x0]  }
0xa0: {  	v9 =	vld [tilespmem:s28+$0x10]  }
0xa1: {  	v10 =	vld [tilespmem:s28+$0x20]  }
0xa2: {  	v11 =	vld [tilespmem:s28+$0x30]  }
0xa3: {  	s25 =	sadd.s32 $0x100, s25;
	v12 =	vld [tilespmem:s28+$0x40]  }
0xa4: {  	v13 =	vld [tilespmem:s28+$0x50];
	[tilespmem:s25+$0x70] =	vst v6  }
0xa5: {  	v6 =	vld [tilespmem:s28+$0x60]  }
0xa6: {  	v14 =	vld [tilespmem:s28+$0xFFFFFF80]  }
0xa7: {  	v0 =	vld.idx.msk [tilespmem:v0+s5+$0x0], $0xffff  }
0xa8: {  	v1 =	vld.idx.msk [tilespmem:v1+s5+$0x0], $0xffff  }
0xa9: {  	v2 =	vld.idx.msk [tilespmem:v2+s5+$0x0], $0xffff  }
0xaa: {  	v3 =	vld.idx.msk [tilespmem:v3+s5+$0x0], $0xffff  }
0xab: {  	v4 =	vld.idx.msk [tilespmem:v4+s5+$0x0], $0xffff  }
0xac: {  	v5 =	vld.idx.msk [tilespmem:v5+s5+$0x0], $0xffff  }
0xad: {  	[tilespmem:s25+$0xFFFFFF90] =	vst v0;
	v7 =	vld.idx.msk [tilespmem:v7+s5+$0x0], $0xffff  }
0xae: {  	v14 =	vld.idx.msk [tilespmem:v14+s5+$0x0], $0xffff;
	[tilespmem:s25+$0xFFFFFFA0] =	vst v1  }
0xaf: {  	[tilespmem:s25+$0xFFFFFFB0] =	vst v2;
	v8 =	vld.idx.msk [tilespmem:v8+s5+$0x0], $0xffff  }
0xb0: {  	[tilespmem:s25+$0xFFFFFFC0] =	vst v3;
	v0 =	vld.idx.msk [tilespmem:v9+s5+$0x0], $0xffff  }
.Ltmp4:
0xb1: {  	[tilespmem:s25+$0xFFFFFFD0] =	vst v4;
	v1 =	vld.idx.msk [tilespmem:v10+s5+$0x0], $0xffff;
	(pc) =	sbr.rel @p2 .LBB2_5-.Ltmp4, $4  }
0xb2: {  	[tilespmem:s25+$0xFFFFFFE0] =	vst v5;
	v2 =	vld.idx.msk [tilespmem:v11+s5+$0x0], $0xffff  }
0xb3: {  	[tilespmem:s25+$0xFFFFFFF0] =	vst v7;
	v3 =	vld.idx.msk [tilespmem:v12+s5+$0x0], $0xffff  }
0xb4: {  	[tilespmem:s25+$0xFFFFFF80] =	vst v14;
	v4 =	vld.idx.msk [tilespmem:v13+s5+$0x0], $0xffff  }
0xb5: {  	s28 =	sadd.s32 $0x100, s28;
	[tilespmem:s25+$0x0] =	vst v8;
	v5 =	vld.idx.msk [tilespmem:v6+s5+$0x0], $0xffff  }
0xb6: {  	[tilespmem:s25+$0x10] =	vst v0  }
0xb7: {  	[tilespmem:s25+$0x20] =	vst v1  }
.Ltmp5:
0xb8: {  	[tilespmem:s25+$0x30] =	vst v2;
	(pc) =	sbr.rel @p1 .LBB2_8-.Ltmp5, $4  }
0xb9: {  	[tilespmem:s25+$0x40] =	vst v3  }
0xba: {  	s24 =	sshrl.u32 s24, $0x3;
	[tilespmem:s25+$0x50] =	vst v4  }
0xbb: {  	s31 =	sadd.s32 s4, s24;
	[tilespmem:s25+$0x60] =	vst v5  }
0xbc: {  	[hbm4b:s31+s5] =	stream.linear.scatter [tilespmem:s19], [sflag:$0x4], $0x3D00, $0x38;
	[tilespmem:$0xF900] =	vst v63  }
.Ltmp6:
0xbd: {  	(pc) =	sbr.rel .LBB2_2-.Ltmp6, $4  }
0xbe: {  	s24 =	sadd.s32 s1, s24  }
0xbf: {  	s24 =	sadd.s32 $0xF40, s24  }
0xc0: {  	[tilespmem:s14], [sflag:$0x2] =	stream.linear.gather [hbm4b:s24+s5], $0x3D00, $0x38;
	[tilespmem:$0xF900] =	vst v63  }
0xc1: {  	p1 =	por $0x1, $0x1;
	s24 =	simm.s32 $0x7A00  }
.LBB2_9:
0xc2: {  	[tilespmem:s22], [sflag:$0x5] =	stream.linear.gather [hbm4b:s10+s5], $0x480, $0x38;
	[tilespmem:$0xF900] =	vst v63  }
0xc3: {  	_ =	swait.ge [sflag:s15], $0x480  }
0xc4: {  	[sflag:s15] =	ssyncset.done $0x0  }
0xc5: {  	s24 =	simm.s32 $0xF4C0;
	[sflag:s15] =	ssyncadd.s32 $0xFFFFFB80  }
0xc6: {  	v0 =	vld [tilespmem:s24+$0x30]  }
0xc7: {  	v1 =	vld [tilespmem:s24+$0xFFFFFFD0]  }
0xc8: {  	v2 =	vld [tilespmem:s24+$0xFFFFFFE0]  }
0xc9: {  	v3 =	vld [tilespmem:s24+$0xFFFFFFF0]  }
0xca: {  	v6 =	vld [tilespmem:s24+$0x0]  }
0xcb: {  	v7 =	vld [tilespmem:s24+$0x10]  }
0xcc: {  	v8 =	vld [tilespmem:s24+$0x20]  }
0xcd: {  	v9 =	vld [tilespmem:s24+$0xFFFFFFC0]  }
0xce: {  	v10 =	vld.idx.msk [tilespmem:v0+s5+$0x0], $0xffff  }
0xcf: {  	v11 =	vld.idx.msk [tilespmem:v1+s5+$0x0], $0xffff  }
0xd0: {  	v5 =	vld.idx.msk [tilespmem:v2+s5+$0x0], $0xffff  }
0xd1: {  	v4 =	vld.idx.msk [tilespmem:v3+s5+$0x0], $0xffff  }
0xd2: {  	v2 =	vld.idx.msk [tilespmem:v6+s5+$0x0], $0xffff  }
0xd3: {  	v1 =	vld.idx.msk [tilespmem:v7+s5+$0x0], $0xffff  }
0xd4: {  	v0 =	vld.idx.msk [tilespmem:v8+s5+$0x0], $0xffff;
	[tilespmem:s24+$0x30] =	vst v10  }
0xd5: {  	s25 =	simm.s32 $0x0;
	s26 =	simm.s32 $0xF540;
	v3 =	vld.idx.msk [tilespmem:v9+s5+$0x0], $0xffff;
	[tilespmem:s24+$0xFFFFFFD0] =	vst v11  }
.LBB2_10:
0xd6: {  	v6 =	vld [tilespmem:s26+$0x30];
	s25 =	sadd.s32 $0x80, s25;
	[tilespmem:s24+$0xFFFFFFE0] =	vst v5  }
0xd7: {  	v5 =	vld [tilespmem:s26+$0xFFFFFFD0];
	p1 =	slt.u32 s25, $0x400;
	[tilespmem:s24+$0xFFFFFFF0] =	vst v4  }
0xd8: {  	v4 =	vld [tilespmem:s26+$0xFFFFFFE0];
	[tilespmem:s24+$0x0] =	vst v2  }
0xd9: {  	v2 =	vld [tilespmem:s26+$0xFFFFFFF0];
	[tilespmem:s24+$0x10] =	vst v1  }
0xda: {  	v1 =	vld [tilespmem:s26+$0x0];
	[tilespmem:s24+$0x20] =	vst v0  }
0xdb: {  	v0 =	vld [tilespmem:s26+$0x10];
	[tilespmem:s24+$0xFFFFFFC0] =	vst v3;
	s24 =	smov.u32 s26  }
0xdc: {  	v3 =	vld [tilespmem:s26+$0x20]  }
0xdd: {  	v7 =	vld [tilespmem:s26+$0xFFFFFFC0]  }
0xde: {  	v6 =	vld.idx.msk [tilespmem:v6+s5+$0x0], $0xffff  }
0xdf: {  	v8 =	vld.idx.msk [tilespmem:v5+s5+$0x0], $0xffff  }
0xe0: {  	v5 =	vld.idx.msk [tilespmem:v4+s5+$0x0], $0xffff  }
.Ltmp7:
0xe1: {  	v4 =	vld.idx.msk [tilespmem:v2+s5+$0x0], $0xffff;
	(pc) =	sbr.rel @p1 .LBB2_10-.Ltmp7, $4  }
0xe2: {  	v2 =	vld.idx.msk [tilespmem:v1+s5+$0x0], $0xffff  }
0xe3: {  	v1 =	vld.idx.msk [tilespmem:v0+s5+$0x0], $0xffff  }
0xe4: {  	v0 =	vld.idx.msk [tilespmem:v3+s5+$0x0], $0xffff;
	[tilespmem:s26+$0x30] =	vst v6  }
0xe5: {  	s26 =	sadd.s32 $0x80, s26;
	v3 =	vld.idx.msk [tilespmem:v7+s5+$0x0], $0xffff;
	[tilespmem:s24+$0xFFFFFFD0] =	vst v8  }
0xe6: {  	[tilespmem:s24+$0xFFFFFFE0] =	vst v5  }
0xe7: {  	[tilespmem:s24+$0xFFFFFFF0] =	vst v4  }
0xe8: {  	[tilespmem:s24+$0x0] =	vst v2  }
0xe9: {  	[tilespmem:s24+$0x10] =	vst v1  }
0xea: {  	[tilespmem:s24+$0x20] =	vst v0  }
.Ltmp8:
0xeb: {  	[tilespmem:s24+$0xFFFFFFC0] =	vst v3;
	(pc) =	sbr.rel .LBB2_12-.Ltmp8, $4  }
0xec: {  	[hbm4b:s11+s5] =	stream.linear.scatter [tilespmem:s22], [sflag:$0x5], $0x480, $0x38;
	[tilespmem:$0xF900] =	vst v63  }
0xed: {  	_ =	swait.ge [sflag:s15], $0x480  }
0xee: {  	[sflag:s15] =	ssyncset.done $0x0  }
0xef: {  	[sflag:s15] =	ssyncadd.s32 $0xFFFFFB80  }
.LBB2_13:
0xf0: {  	_ =	sfence.sel $0x180000  }
0xf1: {  	[bflag:$0x0] =	sbarrier.arrive $0xFFFF  }
0xf2: {  	p0 =	sne.s32 s0, $0x0;
	_ =	strace $0x90000047  }
0xf3: {  	s0 =	sadd.s32 @!p0 $0x100000, s2;
	[bflag:$0x2] =	sbarrier.arrive $0xFFFF  }
0xf4: {  	[sflag:s0] =	ssyncadd.tile.s32 @!p0 $0x1;
	_ =	shalt  }
.Lfunc_end2:
_tile_overlayer_lowered:
.L_overlay_start_2:
0xf5: {  	(tag) =	ssettag $0x2  }
0xf6: {  	s0 =	rddreg [dreg:$0x0];
	s2 =	stileid.u32  }
0xf7: {  	s1 =	rddreg [dreg:$0x1];
	p0 =	sne.s32 s2, $0x0  }
0xf8: {  	s3 =	rddreg [dreg:$0x2];
	[bflag:$0x3] =	sbarrier.arrive $0xFFFF;
	s2 =	simm.s32 @!p0 $0x1C05  }
0xf9: {  	[timem:s3], [sflag:s2] =	dma.local @!p0 [hbm:s0], s1  }
0xfa: {  	s0 =	simm.s32 @!p0 $0x5  }
0xfb: {  	_ =	swait.ge @!p0 [sflag:s0], s1  }
0xfc: {  	s1 =	ssub.s32 @!p0 $0x0, s1;
	[sflag:s0] =	ssyncset.done @!p0 $0x0  }
0xfd: {  	[sflag:s0] =	ssyncadd.s32 @!p0 s1  }
0xfe: {  	[bflag:$0x3] =	sbarrier.arrive $0xFFFF  }
0xff: {  	_ =	shalt  }

</sc_bundles>
